<compile_context>
chip_gen: v7x
topology: tpu7x:2x2x1
jax: 0.10.2.dev20260603
libtpu: 0.0.44.dev20260713+nightly
codegen_flags: <defaults>
</compile_context>

<pallas_src>
import jax
import jax.numpy as jnp
from jax import lax
from jax.experimental import pallas as pl
from jax.experimental.pallas import tpu as pltpu
from jax.experimental.pallas import tpu_sc as plsc

A_DIM = 26
N_CLASSES = 100000
BATCH = 4096

_NC = 2
_NS = 16
_L = 16

_RB = BATCH // 128



_W = 16384
_G = -(-N_CLASSES // _W)


def _lse_body(x_ref, o_ref, m_ref, s_ref):
    g = pl.program_id(0)

    @pl.when(g == 0)
    def _init():
        m_ref[...] = jnp.full_like(m_ref, -jnp.inf)
        s_ref[...] = jnp.zeros_like(s_ref)

    x = x_ref[...]

    def _masked():
        col = g * _W + lax.broadcasted_iota(jnp.int32, x.shape, 1)
        return jnp.where(col < N_CLASSES, x, -jnp.inf)

    x = lax.cond(g == _G - 1, _masked, lambda: x)
    bm = jnp.max(x, axis=1, keepdims=True)
    m_old = m_ref[...]
    m_new = jnp.maximum(m_old, bm)
    s_new = s_ref[...] * jnp.exp(m_old - m_new) + jnp.sum(
        jnp.exp(x - m_new), axis=1, keepdims=True
    )
    m_ref[...] = m_new
    s_ref[...] = s_new

    @pl.when(g == _G - 1)
    def _fin():
        o_ref[0, 0] = jnp.sum(m_new + jnp.log(s_new))


def _lse_const(logits):
    return pl.pallas_call(
        _lse_body,
        grid=(_G,),
        in_specs=[pl.BlockSpec((A_DIM, _W), lambda g: (0, g))],
        out_specs=pl.BlockSpec(memory_space=pltpu.SMEM),
        out_shape=jax.ShapeDtypeStruct((1, 1), jnp.float32),
        scratch_shapes=[
            pltpu.VMEM((A_DIM, 1), jnp.float32),
            pltpu.VMEM((A_DIM, 1), jnp.float32),
        ],
    )(logits)



def _sc_body(logits_hbm, valt_hbm, out_hbm, row_v, idx_v, acc_v, sidx_v, shared):
    c = lax.axis_index("c")
    s = lax.axis_index("s")
    wid = s * _NC + c

    @pl.when(wid < A_DIM)
    def _work():
        pltpu.sync_copy(logits_hbm.at[wid], row_v)
        pltpu.sync_copy(valt_hbm.at[wid], idx_v)

        def outer(r, carry):
            for k in range(128 // _L):
                sl = pl.ds(k * _L, _L)
                acc_v[r, sl] = plsc.load_gather(row_v, [idx_v[r, sl]])
            return carry

        lax.fori_loop(0, _RB, outer, 0)

    iota = lax.broadcasted_iota(jnp.int32, (_L,), 0)
    sidx_v[pl.ds(0, _L)] = iota
    sidx_v[pl.ds(_L, _L)] = iota + _L

    plsc.subcore_barrier()

    @pl.when(s == 0)
    def _seed():
        pltpu.sync_copy(acc_v, shared)

    plsc.subcore_barrier()

    @pl.when((s >= 1) & (wid < A_DIM))
    def _accum():
        pltpu.sync_copy(acc_v, shared.at[sidx_v], add=True)

    plsc.subcore_barrier()

    @pl.when(s == 0)
    def _out():
        pltpu.sync_copy(shared, out_hbm.at[c])


def _sc_gather(logits, valt):
    mesh = plsc.VectorSubcoreMesh(
        core_axis_name="c", subcore_axis_name="s", num_cores=_NC, num_subcores=_NS
    )
    f = pl.kernel(
        _sc_body,
        out_type=jax.ShapeDtypeStruct((_NC, _RB, 128), jnp.float32),
        mesh=mesh,
        scratch_types=[
            pltpu.VMEM((N_CLASSES,), jnp.float32),
            pltpu.VMEM((_RB, 128), jnp.int32),
            pltpu.VMEM((_RB, 128), jnp.float32),
            pltpu.VMEM((2 * _L,), jnp.int32),
            pltpu.VMEM_SHARED((_RB, 128), jnp.float32),
        ],
        compiler_params=pltpu.CompilerParams(needs_layout_passes=False),
    )
    return f(logits, valt)


def kernel(logits, value):
    valt = value.T.reshape(A_DIM, _RB, 128)
    parts = _sc_gather(logits, valt)
    c = _lse_const(logits)
    return (parts[0] + parts[1]).reshape(BATCH) - c[0, 0]

# --- scband reference (transcript-rebuilt; emitter-appended) ---
"""Pipeline reference for scband-learnable-categorical-3032246911409 (READ-ONLY COPY).

The authoritative reference and input builder live on the scoring server;
editing this copy changes nothing except your own understanding.
"""

import jax, jax.numpy as jnp
import numpy as np

A_DIM = 26
N_CLASSES = 100000
BATCH = 4096


def setup_inputs(seed: int = 0) -> dict:
    key = jax.random.key(seed)
    k1, k2 = jax.random.split(key)
    # learned parameter: logits [a_dim, n_classes] (torch inits to zeros; use small randn for a non-degenerate test)
    logits = jax.random.normal(k1, (A_DIM, N_CLASSES), dtype=jnp.float32) * 0.02
    value = jax.random.randint(k2, (BATCH, A_DIM), 0, N_CLASSES, dtype=jnp.int32)
    return {"logits": logits, "value": value}


def reference(logits, value):
    # Independent(Categorical(logits), 1).log_prob(value)
    # Categorical normalizes logits via log_softmax over the class dim;
    # batch_shape of the Categorical is (a_dim,), value broadcasts to [B, a_dim].
    logp = jax.nn.log_softmax(logits, axis=-1)            # [a_dim, n_classes]
    a_idx = jnp.arange(logits.shape[0])[None, :]          # [1, a_dim]
    gathered = logp[a_idx, value]                         # [B, a_dim]; gathered[i,j] = logp[j, value[i,j]]
    # Independent with reinterpreted_batch_ndims=1 sums over the a_dim axis
    return jnp.sum(gathered, axis=-1)                     # [B]

if __name__ == "__main__":
    import jax
    _d = setup_inputs()
    print(jax.jit(kernel)(*tuple(_d.values())))

</pallas_src>

<mosaic_0001>
#map = affine_map<(d0, d1) -> (0, 0)>
#map1 = affine_map<(d0, d1) -> (0, 0, 0)>
module attributes {stable_mosaic.version = 14 : i64} {
  func.func @_sc_body(%arg0: i32, %arg1: i32, %arg2: memref<26x100000xf32, #tpu.memory_space<hbm>>, %arg3: memref<26x32x128xi32, #tpu.memory_space<hbm>>, %arg4: memref<2x32x128xf32, #tpu.memory_space<hbm>>, %arg5: memref<100000xf32, #tpu.memory_space<vmem>>, %arg6: memref<32x128xi32, #tpu.memory_space<vmem>>, %arg7: memref<32x128xf32, #tpu.memory_space<vmem>>, %arg8: memref<32xi32, #tpu.memory_space<vmem>>, %arg9: memref<32x128xf32, #tpu.memory_space<vmem_shared>>) attributes {dimension_semantics = [#tpu.dimension_semantics<core_parallel>, #tpu.dimension_semantics<subcore_parallel>], iteration_bounds = array<i64: 2, 16>, scalar_prefetch = 0 : i64, scratch_operands = 5 : i64, tpu.core_type = #tpu.core_type<sc_vector_subcore>, window_params = [{transform_indices = #map}, {transform_indices = #map1}, {transform_indices = #map1}]} {
    %mul3A = arith.constant 2 : i32
    %mul3A_0 = arith.muli %arg1, %mul3A : i32
    %add3A = arith.addi %mul3A_0, %arg0 : i32
    %lt3A = arith.constant 26 : i32
    %lt3A_1 = arith.cmpi slt, %add3A, %lt3A : i32
    %convert_element_type3A = arith.extui %lt3A_1 : i1 to i32
    %cond3A = arith.constant 0 : i32
    %cond3A_2 = arith.cmpi ne, %convert_element_type3A, %cond3A : i32
    scf.if %cond3A_2 {
      "tpu.region"() ({
        %run_scoped3A = tpu.sem_alloc : memref<!tpu.dma_semaphore, #tpu.memory_space<semaphore_mem>>
        %dma_start3A = arith.constant 0 : i32
        %dma_start3A_31 = tpu.memref_slice %arg2[%add3A, %dma_start3A] : memref<26x100000xf32, #tpu.memory_space<hbm>> -> memref<1x100000xf32, #tpu.memory_space<hbm>>
        %dma_start3A_32 = tpu.memref_squeeze %dma_start3A_31 : memref<1x100000xf32, #tpu.memory_space<hbm>> -> memref<100000xf32, #tpu.memory_space<hbm>>
        %dma_start3A_33 = arith.constant 0 : i32
        %dma_start3A_34 = tpu.memref_slice %arg2[%add3A, %dma_start3A_33] : memref<26x100000xf32, #tpu.memory_space<hbm>> -> memref<1x100000xf32, #tpu.memory_space<hbm>>
        %dma_start3A_35 = tpu.memref_squeeze %dma_start3A_34 : memref<1x100000xf32, #tpu.memory_space<hbm>> -> memref<100000xf32, #tpu.memory_space<hbm>>
        tpu.enqueue_dma source(%dma_start3A_35 : memref<100000xf32, #tpu.memory_space<hbm>>) target(%arg5 : memref<100000xf32, #tpu.memory_space<vmem>>) target_semaphore(%run_scoped3A : memref<!tpu.dma_semaphore, #tpu.memory_space<semaphore_mem>>)
        %dma_wait3A = arith.constant 0 : i32
        %dma_wait3A_36 = tpu.memref_slice %arg2[%add3A, %dma_wait3A] : memref<26x100000xf32, #tpu.memory_space<hbm>> -> memref<1x100000xf32, #tpu.memory_space<hbm>>
        %dma_wait3A_37 = tpu.memref_squeeze %dma_wait3A_36 : memref<1x100000xf32, #tpu.memory_space<hbm>> -> memref<100000xf32, #tpu.memory_space<hbm>>
        %dma_wait3A_38 = arith.constant 0 : i32
        %dma_wait3A_39 = tpu.memref_slice %arg2[%add3A, %dma_wait3A_38] : memref<26x100000xf32, #tpu.memory_space<hbm>> -> memref<1x100000xf32, #tpu.memory_space<hbm>>
        %dma_wait3A_40 = tpu.memref_squeeze %dma_wait3A_39 : memref<1x100000xf32, #tpu.memory_space<hbm>> -> memref<100000xf32, #tpu.memory_space<hbm>>
        tpu.wait_dma2 semaphore(%run_scoped3A : memref<!tpu.dma_semaphore, #tpu.memory_space<semaphore_mem>>) src(%dma_wait3A_40 : memref<100000xf32, #tpu.memory_space<hbm>>) dst(%arg5 : memref<100000xf32, #tpu.memory_space<vmem>>)
        tpu.yield
      }) : () -> ()
      "tpu.region"() ({
        %run_scoped3A = tpu.sem_alloc : memref<!tpu.dma_semaphore, #tpu.memory_space<semaphore_mem>>
        %dma_start3A = arith.constant 0 : i32
        %dma_start3A_31 = arith.constant 0 : i32
        %dma_start3A_32 = tpu.memref_slice %arg3[%add3A, %dma_start3A, %dma_start3A_31] : memref<26x32x128xi32, #tpu.memory_space<hbm>> -> memref<1x32x128xi32, #tpu.memory_space<hbm>>
        %dma_start3A_33 = tpu.memref_squeeze %dma_start3A_32 : memref<1x32x128xi32, #tpu.memory_space<hbm>> -> memref<32x128xi32, #tpu.memory_space<hbm>>
        %dma_start3A_34 = arith.constant 0 : i32
        %dma_start3A_35 = arith.constant 0 : i32
        %dma_start3A_36 = tpu.memref_slice %arg3[%add3A, %dma_start3A_34, %dma_start3A_35] : memref<26x32x128xi32, #tpu.memory_space<hbm>> -> memref<1x32x128xi32, #tpu.memory_space<hbm>>
        %dma_start3A_37 = tpu.memref_squeeze %dma_start3A_36 : memref<1x32x128xi32, #tpu.memory_space<hbm>> -> memref<32x128xi32, #tpu.memory_space<hbm>>
        tpu.enqueue_dma source(%dma_start3A_37 : memref<32x128xi32, #tpu.memory_space<hbm>>) target(%arg6 : memref<32x128xi32, #tpu.memory_space<vmem>>) target_semaphore(%run_scoped3A : memref<!tpu.dma_semaphore, #tpu.memory_space<semaphore_mem>>)
        %dma_wait3A = arith.constant 0 : i32
        %dma_wait3A_38 = arith.constant 0 : i32
        %dma_wait3A_39 = tpu.memref_slice %arg3[%add3A, %dma_wait3A, %dma_wait3A_38] : memref<26x32x128xi32, #tpu.memory_space<hbm>> -> memref<1x32x128xi32, #tpu.memory_space<hbm>>
        %dma_wait3A_40 = tpu.memref_squeeze %dma_wait3A_39 : memref<1x32x128xi32, #tpu.memory_space<hbm>> -> memref<32x128xi32, #tpu.memory_space<hbm>>
        %dma_wait3A_41 = arith.constant 0 : i32
        %dma_wait3A_42 = arith.constant 0 : i32
        %dma_wait3A_43 = tpu.memref_slice %arg3[%add3A, %dma_wait3A_41, %dma_wait3A_42] : memref<26x32x128xi32, #tpu.memory_space<hbm>> -> memref<1x32x128xi32, #tpu.memory_space<hbm>>
        %dma_wait3A_44 = tpu.memref_squeeze %dma_wait3A_43 : memref<1x32x128xi32, #tpu.memory_space<hbm>> -> memref<32x128xi32, #tpu.memory_space<hbm>>
        tpu.wait_dma2 semaphore(%run_scoped3A : memref<!tpu.dma_semaphore, #tpu.memory_space<semaphore_mem>>) src(%dma_wait3A_44 : memref<32x128xi32, #tpu.memory_space<hbm>>) dst(%arg6 : memref<32x128xi32, #tpu.memory_space<vmem>>)
        tpu.yield
      }) : () -> ()
      %scan3A = arith.constant 0 : i32
      %scan3A_26 = arith.constant 0 : i32
      %scan3A_27 = arith.constant 32 : i32
      %scan3A_28 = arith.addi %scan3A_26, %scan3A_27 : i32
      %scan3A_29 = arith.constant 1 : i32
      scf.for %scan3A_31 = %scan3A_26 to %scan3A_28 step %scan3A_29  : i32 {
        %get3A = arith.index_cast %scan3A_31 : i32 to index
        %get3A_32 = arith.constant 0 : index
        %get3A_33 = tpu.vector_load %arg6[%get3A, %get3A_32] {strides = array<i32>} : memref<32x128xi32, #tpu.memory_space<vmem>>, vector<16xi32>,
        %gather3A = tpu.vector_load_idx %arg5[%get3A_33] : memref<100000xf32, #tpu.memory_space<vmem>>[vector<16xi32>], vector<16xf32>,
        %swap3A_34 = arith.index_cast %scan3A_31 : i32 to index
        %swap3A_35 = arith.constant 0 : index
        %swap3A_36 = tpu.vector_load %arg7[%swap3A_34, %swap3A_35] {strides = array<i32>} : memref<32x128xf32, #tpu.memory_space<vmem>>, vector<16xf32>,
        tpu.vector_store %arg7[%swap3A_34, %swap3A_35], %gather3A {strides = array<i32>} : memref<32x128xf32, #tpu.memory_space<vmem>>, vector<16xf32>,
        %get3A_37 = arith.index_cast %scan3A_31 : i32 to index
        %get3A_38 = arith.constant 16 : index
        %get3A_39 = tpu.vector_load %arg6[%get3A_37, %get3A_38] {strides = array<i32>} : memref<32x128xi32, #tpu.memory_space<vmem>>, vector<16xi32>,
        %gather3A_40 = tpu.vector_load_idx %arg5[%get3A_39] : memref<100000xf32, #tpu.memory_space<vmem>>[vector<16xi32>], vector<16xf32>,
        %swap3A_41 = arith.index_cast %scan3A_31 : i32 to index
        %swap3A_42 = arith.constant 16 : index
        %swap3A_43 = tpu.vector_load %arg7[%swap3A_41, %swap3A_42] {strides = array<i32>} : memref<32x128xf32, #tpu.memory_space<vmem>>, vector<16xf32>,
        tpu.vector_store %arg7[%swap3A_41, %swap3A_42], %gather3A_40 {strides = array<i32>} : memref<32x128xf32, #tpu.memory_space<vmem>>, vector<16xf32>,
        %get3A_44 = arith.index_cast %scan3A_31 : i32 to index
        %get3A_45 = arith.constant 32 : index
        %get3A_46 = tpu.vector_load %arg6[%get3A_44, %get3A_45] {strides = array<i32>} : memref<32x128xi32, #tpu.memory_space<vmem>>, vector<16xi32>,
        %gather3A_47 = tpu.vector_load_idx %arg5[%get3A_46] : memref<100000xf32, #tpu.memory_space<vmem>>[vector<16xi32>], vector<16xf32>,
        %swap3A_48 = arith.index_cast %scan3A_31 : i32 to index
        %swap3A_49 = arith.constant 32 : index
        %swap3A_50 = tpu.vector_load %arg7[%swap3A_48, %swap3A_49] {strides = array<i32>} : memref<32x128xf32, #tpu.memory_space<vmem>>, vector<16xf32>,
        tpu.vector_store %arg7[%swap3A_48, %swap3A_49], %gather3A_47 {strides = array<i32>} : memref<32x128xf32, #tpu.memory_space<vmem>>, vector<16xf32>,
        %get3A_51 = arith.index_cast %scan3A_31 : i32 to index
        %get3A_52 = arith.constant 48 : index
        %get3A_53 = tpu.vector_load %arg6[%get3A_51, %get3A_52] {strides = array<i32>} : memref<32x128xi32, #tpu.memory_space<vmem>>, vector<16xi32>,
        %gather3A_54 = tpu.vector_load_idx %arg5[%get3A_53] : memref<100000xf32, #tpu.memory_space<vmem>>[vector<16xi32>], vector<16xf32>,
        %swap3A_55 = arith.index_cast %scan3A_31 : i32 to index
        %swap3A_56 = arith.constant 48 : index
        %swap3A_57 = tpu.vector_load %arg7[%swap3A_55, %swap3A_56] {strides = array<i32>} : memref<32x128xf32, #tpu.memory_space<vmem>>, vector<16xf32>,
        tpu.vector_store %arg7[%swap3A_55, %swap3A_56], %gather3A_54 {strides = array<i32>} : memref<32x128xf32, #tpu.memory_space<vmem>>, vector<16xf32>,
        %get3A_58 = arith.index_cast %scan3A_31 : i32 to index
        %get3A_59 = arith.constant 64 : index
        %get3A_60 = tpu.vector_load %arg6[%get3A_58, %get3A_59] {strides = array<i32>} : memref<32x128xi32, #tpu.memory_space<vmem>>, vector<16xi32>,
        %gather3A_61 = tpu.vector_load_idx %arg5[%get3A_60] : memref<100000xf32, #tpu.memory_space<vmem>>[vector<16xi32>], vector<16xf32>,
        %swap3A_62 = arith.index_cast %scan3A_31 : i32 to index
        %swap3A_63 = arith.constant 64 : index
        %swap3A_64 = tpu.vector_load %arg7[%swap3A_62, %swap3A_63] {strides = array<i32>} : memref<32x128xf32, #tpu.memory_space<vmem>>, vector<16xf32>,
        tpu.vector_store %arg7[%swap3A_62, %swap3A_63], %gather3A_61 {strides = array<i32>} : memref<32x128xf32, #tpu.memory_space<vmem>>, vector<16xf32>,
        %get3A_65 = arith.index_cast %scan3A_31 : i32 to index
        %get3A_66 = arith.constant 80 : index
        %get3A_67 = tpu.vector_load %arg6[%get3A_65, %get3A_66] {strides = array<i32>} : memref<32x128xi32, #tpu.memory_space<vmem>>, vector<16xi32>,
        %gather3A_68 = tpu.vector_load_idx %arg5[%get3A_67] : memref<100000xf32, #tpu.memory_space<vmem>>[vector<16xi32>], vector<16xf32>,
        %swap3A_69 = arith.index_cast %scan3A_31 : i32 to index
        %swap3A_70 = arith.constant 80 : index
        %swap3A_71 = tpu.vector_load %arg7[%swap3A_69, %swap3A_70] {strides = array<i32>} : memref<32x128xf32, #tpu.memory_space<vmem>>, vector<16xf32>,
        tpu.vector_store %arg7[%swap3A_69, %swap3A_70], %gather3A_68 {strides = array<i32>} : memref<32x128xf32, #tpu.memory_space<vmem>>, vector<16xf32>,
        %get3A_72 = arith.index_cast %scan3A_31 : i32 to index
        %get3A_73 = arith.constant 96 : index
        %get3A_74 = tpu.vector_load %arg6[%get3A_72, %get3A_73] {strides = array<i32>} : memref<32x128xi32, #tpu.memory_space<vmem>>, vector<16xi32>,
        %gather3A_75 = tpu.vector_load_idx %arg5[%get3A_74] : memref<100000xf32, #tpu.memory_space<vmem>>[vector<16xi32>], vector<16xf32>,
        %swap3A_76 = arith.index_cast %scan3A_31 : i32 to index
        %swap3A_77 = arith.constant 96 : index
        %swap3A_78 = tpu.vector_load %arg7[%swap3A_76, %swap3A_77] {strides = array<i32>} : memref<32x128xf32, #tpu.memory_space<vmem>>, vector<16xf32>,
        tpu.vector_store %arg7[%swap3A_76, %swap3A_77], %gather3A_75 {strides = array<i32>} : memref<32x128xf32, #tpu.memory_space<vmem>>, vector<16xf32>,
        %get3A_79 = arith.index_cast %scan3A_31 : i32 to index
        %get3A_80 = arith.constant 112 : index
        %get3A_81 = tpu.vector_load %arg6[%get3A_79, %get3A_80] {strides = array<i32>} : memref<32x128xi32, #tpu.memory_space<vmem>>, vector<16xi32>,
        %gather3A_82 = tpu.vector_load_idx %arg5[%get3A_81] : memref<100000xf32, #tpu.memory_space<vmem>>[vector<16xi32>], vector<16xf32>,
        %swap3A_83 = arith.index_cast %scan3A_31 : i32 to index
        %swap3A_84 = arith.constant 112 : index
        %swap3A_85 = tpu.vector_load %arg7[%swap3A_83, %swap3A_84] {strides = array<i32>} : memref<32x128xf32, #tpu.memory_space<vmem>>, vector<16xf32>,
        tpu.vector_store %arg7[%swap3A_83, %swap3A_84], %gather3A_82 {strides = array<i32>} : memref<32x128xf32, #tpu.memory_space<vmem>>, vector<16xf32>,
      }
      %scan3A_30 = arith.constant 32 : i32
    } else {
    }
    %iota3A = tpu.iota {dimensions = array<i32: 0>} : vector<16xi32>
    %swap3A = arith.constant 0 : index
    %swap3A_3 = tpu.vector_load %arg8[%swap3A] {strides = array<i32>} : memref<32xi32, #tpu.memory_space<vmem>>, vector<16xi32>,
    tpu.vector_store %arg8[%swap3A], %iota3A {strides = array<i32>} : memref<32xi32, #tpu.memory_space<vmem>>, vector<16xi32>,
    %add3A_4 = arith.constant 16 : i32
    %add3A_5 = vector.broadcast %add3A_4 : i32 to vector<16xi32>
    %add3A_6 = arith.addi %iota3A, %add3A_5 : vector<16xi32>
    %swap3A_7 = arith.constant 16 : index
    %swap3A_8 = tpu.vector_load %arg8[%swap3A_7] {strides = array<i32>} : memref<32xi32, #tpu.memory_space<vmem>>, vector<16xi32>,
    tpu.vector_store %arg8[%swap3A_7], %add3A_6 {strides = array<i32>} : memref<32xi32, #tpu.memory_space<vmem>>, vector<16xi32>,
    %barrier3A = arith.constant 0 : index
    tpu.barrier barrier_id(%barrier3A)
    %eq3A = arith.constant 0 : i32
    %eq3A_9 = arith.cmpi eq, %arg1, %eq3A : i32
    %convert_element_type3A_10 = arith.extui %eq3A_9 : i1 to i32
    %cond3A_11 = arith.constant 0 : i32
    %cond3A_12 = arith.cmpi ne, %convert_element_type3A_10, %cond3A_11 : i32
    scf.if %cond3A_12 {
      "tpu.region"() ({
        %run_scoped3A = tpu.sem_alloc : memref<!tpu.dma_semaphore, #tpu.memory_space<semaphore_mem>>
        tpu.enqueue_dma source(%arg7 : memref<32x128xf32, #tpu.memory_space<vmem>>) target(%arg9 : memref<32x128xf32, #tpu.memory_space<vmem_shared>>) target_semaphore(%run_scoped3A : memref<!tpu.dma_semaphore, #tpu.memory_space<semaphore_mem>>)
        tpu.wait_dma2 semaphore(%run_scoped3A : memref<!tpu.dma_semaphore, #tpu.memory_space<semaphore_mem>>) src(%arg7 : memref<32x128xf32, #tpu.memory_space<vmem>>) dst(%arg9 : memref<32x128xf32, #tpu.memory_space<vmem_shared>>)
        tpu.yield
      }) : () -> ()
    } else {
    }
    %barrier3A_13 = arith.constant 0 : index
    tpu.barrier barrier_id(%barrier3A_13)
    %ge3A = arith.constant 1 : i32
    %ge3A_14 = arith.cmpi sge, %arg1, %ge3A : i32
    %lt3A_15 = arith.constant 26 : i32
    %lt3A_16 = arith.cmpi slt, %add3A, %lt3A_15 : i32
    %and3A = arith.andi %ge3A_14, %lt3A_16 : i1
    %convert_element_type3A_17 = arith.extui %and3A : i1 to i32
    %cond3A_18 = arith.constant 0 : i32
    %cond3A_19 = arith.cmpi ne, %convert_element_type3A_17, %cond3A_18 : i32
    scf.if %cond3A_19 {
      "tpu.region"() ({
        %run_scoped3A = tpu.sem_alloc : memref<!tpu.dma_semaphore, #tpu.memory_space<semaphore_mem>>
        %dma_start3A = arith.constant 0 : i32
        %dma_start3A_26 = arith.constant 0 : i32
        %dma_start3A_27 = tpu.memref_slice %arg9[%dma_start3A, %dma_start3A_26] : memref<32x128xf32, #tpu.memory_space<vmem_shared>> -> memref<32x128xf32, #tpu.memory_space<vmem_shared>>
        tpu.enqueue_indirect_dma source(%arg7 : memref<32x128xf32, #tpu.memory_space<vmem>>) target(%dma_start3A_27 : memref<32x128xf32, #tpu.memory_space<vmem_shared>>) offsets(%arg8 : memref<32xi32, #tpu.memory_space<vmem>>) semaphore(%run_scoped3A : memref<!tpu.dma_semaphore, #tpu.memory_space<semaphore_mem>>) {add = true}
        %dma_wait3A = arith.constant 0 : i32
        %dma_wait3A_28 = arith.constant 0 : i32
        %dma_wait3A_29 = tpu.memref_slice %arg9[%dma_wait3A, %dma_wait3A_28] : memref<32x128xf32, #tpu.memory_space<vmem_shared>> -> memref<32x128xf32, #tpu.memory_space<vmem_shared>>
        tpu.wait_indirect_dma semaphore(%run_scoped3A : memref<!tpu.dma_semaphore, #tpu.memory_space<semaphore_mem>>) src(%arg7 : memref<32x128xf32, #tpu.memory_space<vmem>>) dst(%dma_wait3A_29 : memref<32x128xf32, #tpu.memory_space<vmem_shared>>)
        tpu.yield
      }) : () -> ()
    } else {
    }
    %barrier3A_20 = arith.constant 0 : index
    tpu.barrier barrier_id(%barrier3A_20)
    %eq3A_21 = arith.constant 0 : i32
    %eq3A_22 = arith.cmpi eq, %arg1, %eq3A_21 : i32
    %convert_element_type3A_23 = arith.extui %eq3A_22 : i1 to i32
    %cond3A_24 = arith.constant 0 : i32
    %cond3A_25 = arith.cmpi ne, %convert_element_type3A_23, %cond3A_24 : i32
    scf.if %cond3A_25 {
      "tpu.region"() ({
        %run_scoped3A = tpu.sem_alloc : memref<!tpu.dma_semaphore, #tpu.memory_space<semaphore_mem>>
        %dma_start3A = arith.constant 0 : i32
        %dma_start3A_26 = arith.constant 0 : i32
        %dma_start3A_27 = tpu.memref_slice %arg4[%arg0, %dma_start3A, %dma_start3A_26] : memref<2x32x128xf32, #tpu.memory_space<hbm>> -> memref<1x32x128xf32, #tpu.memory_space<hbm>>
        %dma_start3A_28 = tpu.memref_squeeze %dma_start3A_27 : memref<1x32x128xf32, #tpu.memory_space<hbm>> -> memref<32x128xf32, #tpu.memory_space<hbm>>
        tpu.enqueue_dma source(%arg9 : memref<32x128xf32, #tpu.memory_space<vmem_shared>>) target(%dma_start3A_28 : memref<32x128xf32, #tpu.memory_space<hbm>>) target_semaphore(%run_scoped3A : memref<!tpu.dma_semaphore, #tpu.memory_space<semaphore_mem>>)
        %dma_wait3A = arith.constant 0 : i32
        %dma_wait3A_29 = arith.constant 0 : i32
        %dma_wait3A_30 = tpu.memref_slice %arg4[%arg0, %dma_wait3A, %dma_wait3A_29] : memref<2x32x128xf32, #tpu.memory_space<hbm>> -> memref<1x32x128xf32, #tpu.memory_space<hbm>>
        %dma_wait3A_31 = tpu.memref_squeeze %dma_wait3A_30 : memref<1x32x128xf32, #tpu.memory_space<hbm>> -> memref<32x128xf32, #tpu.memory_space<hbm>>
        tpu.wait_dma2 semaphore(%run_scoped3A : memref<!tpu.dma_semaphore, #tpu.memory_space<semaphore_mem>>) src(%arg9 : memref<32x128xf32, #tpu.memory_space<vmem_shared>>) dst(%dma_wait3A_31 : memref<32x128xf32, #tpu.memory_space<hbm>>)
        tpu.yield
      }) : () -> ()
    } else {
    }
    return
  }
}

module attributes {stable_mosaic.version = 14 : i64} {
  func.func @_lse_body(%arg0: i32, %arg1: memref<26x16384xf32, #tpu.memory_space<vmem>>, %arg2: memref<1x1xf32, #tpu.memory_space<smem>>, %arg3: memref<26x1xf32, #tpu.memory_space<vmem>>, %arg4: memref<26x1xf32, #tpu.memory_space<vmem>>) attributes {dimension_semantics = [#tpu.dimension_semantics<arbitrary>], iteration_bounds = array<i64: 7>, scalar_prefetch = 0 : i64, scratch_operands = 2 : i64, tpu.core_type = #tpu.core_type<tc>, window_params = [{transform_indices = @transform_0, window_bounds = array<i64: 26, 16384>}, {transform_indices = @transform_1, window_bounds = array<i64: 1, 1>}]} {
    %eq3A = arith.constant 0 : i32
    %eq3A_0 = arith.cmpi eq, %arg0, %eq3A : i32
    %convert_element_type3A = arith.extui %eq3A_0 : i1 to i32
    %cond3A = arith.constant 0 : i32
    %cond3A_1 = arith.cmpi ne, %convert_element_type3A, %cond3A : i32
    scf.if %cond3A_1 {
      %broadcast_in_dim3A_32 = arith.constant 0xFF800000 : f32
      %broadcast_in_dim3A_33 = vector.broadcast %broadcast_in_dim3A_32 : f32 to vector<26x1xf32>
      %swap3A_34 = arith.constant 0 : index
      %swap3A_35 = arith.constant 0 : index
      %swap3A_36 = vector.load %arg3[%swap3A_34, %swap3A_35] : memref<26x1xf32, #tpu.memory_space<vmem>>, vector<26x1xf32>
      tpu.vector_store %arg3[%swap3A_34, %swap3A_35], %broadcast_in_dim3A_33 {strides = array<i32>} : memref<26x1xf32, #tpu.memory_space<vmem>>, vector<26x1xf32>,
      %broadcast_in_dim3A_37 = arith.constant 0.000000e+00 : f32
      %broadcast_in_dim3A_38 = vector.broadcast %broadcast_in_dim3A_37 : f32 to vector<26x1xf32>
      %swap3A_39 = arith.constant 0 : index
      %swap3A_40 = arith.constant 0 : index
      %swap3A_41 = vector.load %arg4[%swap3A_39, %swap3A_40] : memref<26x1xf32, #tpu.memory_space<vmem>>, vector<26x1xf32>
      tpu.vector_store %arg4[%swap3A_39, %swap3A_40], %broadcast_in_dim3A_38 {strides = array<i32>} : memref<26x1xf32, #tpu.memory_space<vmem>>, vector<26x1xf32>,
    } else {
    }
    %get3A = arith.constant 0 : index
    %get3A_2 = arith.constant 0 : index
    %get3A_3 = vector.load %arg1[%get3A, %get3A_2] : memref<26x16384xf32, #tpu.memory_space<vmem>>, vector<26x16384xf32>
    %eq3A_4 = arith.constant 6 : i32
    %eq3A_5 = arith.cmpi eq, %arg0, %eq3A_4 : i32
    %convert_element_type3A_6 = arith.extui %eq3A_5 : i1 to i32
    %cond3A_7 = arith.constant 0 : i32
    %cond3A_8 = arith.cmpi ne, %convert_element_type3A_6, %cond3A_7 : i32
    %cond3A_9 = scf.if %cond3A_8 -> (vector<26x16384xf32>) {
      %mul3A_32 = arith.constant 16384 : i32
      %mul3A_33 = arith.muli %arg0, %mul3A_32 : i32
      %iota3A = tpu.iota {dimensions = array<i32: 1>} : vector<26x16384xi32>
      %add3A_34 = vector.broadcast %mul3A_33 : i32 to vector<26x16384xi32>
      %add3A_35 = arith.addi %add3A_34, %iota3A : vector<26x16384xi32>
      %lt3A = arith.constant 100000 : i32
      %lt3A_36 = vector.broadcast %lt3A : i32 to vector<26x16384xi32>
      %lt3A_37 = arith.cmpi slt, %add3A_35, %lt3A_36 : vector<26x16384xi32>
      %jit3A = arith.constant 0xFF800000 : f32
      %broadcast_in_dim3A_38 = vector.broadcast %jit3A : f32 to vector<26x16384xf32>
      %select_n3A = arith.select %lt3A_37, %get3A_3, %broadcast_in_dim3A_38 : vector<26x16384xi1>, vector<26x16384xf32>
      scf.yield %select_n3A : vector<26x16384xf32>
    } else {
      scf.yield %get3A_3 : vector<26x16384xf32>
    }
    %reduce_max3A = arith.constant dense<0xFF800000> : vector<26xf32>
    %reduce_max3A_10 = vector.multi_reduction <maximumf>, %cond3A_9, %reduce_max3A [1] : vector<26x16384xf32> to vector<26xf32>
    %broadcast_in_dim3A = vector.shape_cast %reduce_max3A_10 : vector<26xf32> to vector<26x1xf32>
    %get3A_11 = arith.constant 0 : index
    %get3A_12 = arith.constant 0 : index
    %get3A_13 = vector.load %arg3[%get3A_11, %get3A_12] : memref<26x1xf32, #tpu.memory_space<vmem>>, vector<26x1xf32>
    %max3A = arith.maximumf %get3A_13, %broadcast_in_dim3A : vector<26x1xf32>
    %get3A_14 = arith.constant 0 : index
    %get3A_15 = arith.constant 0 : index
    %get3A_16 = vector.load %arg4[%get3A_14, %get3A_15] : memref<26x1xf32, #tpu.memory_space<vmem>>, vector<26x1xf32>
    %sub3A = arith.subf %get3A_13, %max3A : vector<26x1xf32>
    %exp3A = math.exp %sub3A : vector<26x1xf32>
    %mul3A = arith.mulf %get3A_16, %exp3A : vector<26x1xf32>
    %sub3A_17 = vector.broadcast %max3A : vector<26x1xf32> to vector<26x16384xf32>
    %sub3A_18 = arith.subf %cond3A_9, %sub3A_17 : vector<26x16384xf32>
    %exp3A_19 = math.exp %sub3A_18 : vector<26x16384xf32>
    %reduce_sum3A = arith.constant dense<0.000000e+00> : vector<26xf32>
    %reduce_sum3A_20 = vector.multi_reduction <add>, %exp3A_19, %reduce_sum3A [1] : vector<26x16384xf32> to vector<26xf32>
    %broadcast_in_dim3A_21 = vector.shape_cast %reduce_sum3A_20 : vector<26xf32> to vector<26x1xf32>
    %add3A = arith.addf %mul3A, %broadcast_in_dim3A_21 : vector<26x1xf32>
    %swap3A = arith.constant 0 : index
    %swap3A_22 = arith.constant 0 : index
    %swap3A_23 = vector.load %arg3[%swap3A, %swap3A_22] : memref<26x1xf32, #tpu.memory_space<vmem>>, vector<26x1xf32>
    tpu.vector_store %arg3[%swap3A, %swap3A_22], %max3A {strides = array<i32>} : memref<26x1xf32, #tpu.memory_space<vmem>>, vector<26x1xf32>,
    %swap3A_24 = arith.constant 0 : index
    %swap3A_25 = arith.constant 0 : index
    %swap3A_26 = vector.load %arg4[%swap3A_24, %swap3A_25] : memref<26x1xf32, #tpu.memory_space<vmem>>, vector<26x1xf32>
    tpu.vector_store %arg4[%swap3A_24, %swap3A_25], %add3A {strides = array<i32>} : memref<26x1xf32, #tpu.memory_space<vmem>>, vector<26x1xf32>,
    %eq3A_27 = arith.constant 6 : i32
    %eq3A_28 = arith.cmpi eq, %arg0, %eq3A_27 : i32
    %convert_element_type3A_29 = arith.extui %eq3A_28 : i1 to i32
    %cond3A_30 = arith.constant 0 : i32
    %cond3A_31 = arith.cmpi ne, %convert_element_type3A_29, %cond3A_30 : i32
    scf.if %cond3A_31 {
      %log3A = math.log %add3A : vector<26x1xf32>
      %add3A_32 = arith.addf %max3A, %log3A : vector<26x1xf32>
      %reduce_sum3A_33 = vector.shape_cast %add3A_32 : vector<26x1xf32> to vector<1x26x1xf32>
      %reduce_sum3A_34 = arith.constant dense<0.000000e+00> : vector<1xf32>
      %reduce_sum3A_35 = vector.multi_reduction <add>, %reduce_sum3A_33, %reduce_sum3A_34 [1, 2] : vector<1x26x1xf32> to vector<1xf32>
      %reduce_sum3A_36 = vector.shape_cast %reduce_sum3A_35 : vector<1xf32> to vector<1x1x1xf32>
      %reduce_sum3A_37 = vector.extract %reduce_sum3A_36[0, 0, 0] : f32 from vector<1x1x1xf32>
      %swap3A_38 = arith.constant 0 : index
      %swap3A_39 = arith.constant 0 : index
      %swap3A_40 = memref.load %arg2[%swap3A_38, %swap3A_39] : memref<1x1xf32, #tpu.memory_space<smem>>
      memref.store %reduce_sum3A_37, %arg2[%swap3A_38, %swap3A_39] : memref<1x1xf32, #tpu.memory_space<smem>>
    } else {
    }
    return
  }
  func.func @transform_0(%arg0: i32) -> (i32, i32) {
    %c0_i32 = arith.constant 0 : i32
    %c0_i32_0 = arith.constant 0 : i32
    return %c0_i32, %arg0 : i32, i32
  }
  func.func @transform_1(%arg0: i32) -> (i32, i32) {
    %c0_i32 = arith.constant 0 : i32
    %c0_i32_0 = arith.constant 0 : i32
    %c0_i32_1 = arith.constant 0 : i32
    return %c0_i32, %c0_i32_0 : i32, i32
  }
}

</mosaic_0001>

<sc_bundles>
// kernel: kernel.4.cloned.1.call-start
scs
__scs_entry_jumppad:
0x0: {  	(pc) =	sbr.rel $0x88, $3  }
0x1: {  	(tag) =	ssettag $0x0;
	lr =	simm.s32 $0x1  }
0x2: {  	[smem:$0x3F9F] =	sst lr;
	_ =	strace $0xD0000000  }
0x3: {  	_ = 	snop  }
0x4: {  	_ = 	snop  }
0x5: {  	_ = 	snop  }
0x6: {  	_ = 	snop  }
0x7: {  	_ = 	snop  }
__scs_overlays_trampoline_lowered:
0x8: {  	[smem:$0x3FAE] =	sst s0  }
0x9: {  	[smem:$0x3FAF] =	sst s1  }
0xa: {  	[smem:$0x3FB0] =	sst s2  }
0xb: {  	[smem:$0x3FB1] =	sst s3  }
0xc: {  	[smem:$0x3FB2] =	sst s4  }
0xd: {  	[smem:$0x3FB3] =	sst s5  }
0xe: {  	[smem:$0x3FB4] =	sst s6  }
0xf: {  	[smem:$0x3FB5] =	sst s7  }
0x10: {  	[smem:$0x3FB6] =	sst s8  }
0x11: {  	[smem:$0x3FB7] =	sst s9;
	s0 =	simm.s32 @!p0 $0x0  }
0x12: {  	s1 =	sld [smem:$0x3F9D];
	s0 =	simm.s32 @p0 $0x1  }
0x13: {  	[smem:$0x3FB8] =	sst s0;
	s0 =	simm.s32 @!p1 $0x0  }
0x14: {  	s2 =	sld [smem:$0x3F9C];
	s0 =	simm.s32 @p1 $0x1  }
0x15: {  	[smem:$0x3FB9] =	sst s0;
	s0 =	simm.s32 @!p2 $0x0  }
0x16: {  	s3 =	sld [smem:$0x3FDB];
	s0 =	simm.s32 @p2 $0x1  }
0x17: {  	s4 =	simm.s32 $0x1BF5;
	[smem:$0x3FBB] =	sst s0  }
0x18: {  	s0 =	sld [smem:$0x3F9E];
	_ =	swait.ge [sflag:s4], $0x0  }
0x19: {  	s7 =	sld [smem:$0x3F9F]  }
0x1a: {  	s8 =	sadd.s32 $0xFFFFE003, lr  }
0x1b: {  	s9 =	sadd.s32 $0xFFFFFEF7, lr;
	s5 =	simm.s32 $0xFFFFFFFF;
	p2 =	slt.u32 s8, $0xFFFFF086  }
0x1c: {  	p1 =	slt.u32 s9, $0xF7A;
	s5 =	simm.s32 @!p2 $0x0  }
0x1d: {  	s5 =	simm.s32 @p1 $0x1;
	p0 =	seq.s32 s7, s2  }
0x1e: {  	s7 =	smul.u32 @!p0 $0xF7A, s2;
	p2 =	seq.s32 @!p0 s5, $0x0  }
0x1f: {  	s9 =	smul.u32 $0xF7A, s1;
	s8 =	simm.s32 @!p0 $0x1BF5;
	p2 =	por !p2, p0  }
0x20: {  	[sflag:s8] =	ssyncset.s32 @!p0 $0xFFFFF086;
	s6 =	sadd.s32 @!p0 s3, s7;
	s7 =	simm.s32 @!p0 $0x108  }
0x21: {  	s3 =	sadd.s32 s3, s9;
	s6 =	sadd.s32 @!p0 $0x88, s6;
	s7 =	simm.s32 @p2 $0x1082  }
0x22: {  	[simem:s7], [sflag:s8] =	dma.local @!p0 [hbm:s6], $0xF7A  }
0x23: {  	s9 =	sor.u32 $0xD0000000, s2;
	s6 =	simm.s32 $0x108;
	_ =	swait.ge @!p0 [sflag:s8], $0x0  }
0x24: {  	s3 =	sadd.s32 $0x88, s3;
	s6 =	simm.s32 @!p1 $0x1082;
	[sflag:s4] =	ssyncset.s32 $0xFFFFF086  }
0x25: {  	[simem:s6], [sflag:s4] =	dma.local [hbm:s3], $0xF7A  }
0x26: {  	[smem:$0x3F9F] =	sst s1;
	(tag) =	ssettag s2;
	_ =	strace s9  }
0x27: {  	s1 =	sld [smem:$0x3FAF]  }
0x28: {  	s2 =	sld [smem:$0x3FB0]  }
0x29: {  	s4 =	sld [smem:$0x3FB2]  }
0x2a: {  	p0 =	seq.s32 s5, $0x0;
	s5 =	sld [smem:$0x3FB3]  }
0x2b: {  	s6 =	sld [smem:$0x3FB4]  }
0x2c: {  	s7 =	sld [smem:$0x3FB5]  }
0x2d: {  	s3 =	simm.s32 $0x108;
	s8 =	sld [smem:$0x3FB6]  }
0x2e: {  	s3 =	simm.s32 @!p0 $0x1082;
	s9 =	sld [smem:$0x3FB7]  }
0x2f: {  	lr =	sadd.s32 s0, s3;
	s0 =	sld [smem:$0x3FAE]  }
0x30: {  	s3 =	sld [smem:$0x3FB1]  }
0x31: {  	[smem:$0x3FBA] =	sst s10  }
0x32: {  	s10 =	sld [smem:$0x3FB8];
	_ =	sdelay $0x3  }
0x33: {  	p0 =	seq.s32 s10, $0x1;
	s10 =	sld [smem:$0x3FBA];
	_ =	sdelay $0x3  }
0x34: {  	[smem:$0x3FBA] =	sst s10  }
0x35: {  	s10 =	sld [smem:$0x3FB9];
	_ =	sdelay $0x3  }
0x36: {  	p1 =	seq.s32 s10, $0x1;
	s10 =	sld [smem:$0x3FBA];
	_ =	sdelay $0x3  }
0x37: {  	[smem:$0x3FBA] =	sst s10  }
0x38: {  	s10 =	sld [smem:$0x3FBB]  }
0x39: {  	_ = 	snop;
	(pc) =	sbr.ind lr, $3  }
0x3a: {  	_ = 	snop  }
0x3b: {  	_ = 	snop  }
0x3c: {  	p2 =	seq.s32 s10, $0x1;
	s10 =	sld [smem:$0x3FBA]  }
0x3d: {  	_ =	shalt  }
0x3e: {  	_ =	shalt  }
0x3f: {  	_ =	shalt  }
0x40: {  	_ =	shalt  }
0x41: {  	_ =	shalt  }
0x42: {  	_ =	shalt  }
0x43: {  	_ =	shalt  }
0x44: {  	_ =	shalt  }
0x45: {  	_ =	shalt  }
0x46: {  	_ =	shalt  }
0x47: {  	_ =	shalt  }
0x48: {  	_ =	shalt  }
0x49: {  	_ =	shalt  }
0x4a: {  	_ =	shalt  }
0x4b: {  	_ =	shalt  }
0x4c: {  	_ =	shalt  }
0x4d: {  	_ =	shalt  }
0x4e: {  	_ =	shalt  }
0x4f: {  	_ =	shalt  }
0x50: {  	_ =	shalt  }
0x51: {  	_ =	shalt  }
0x52: {  	_ =	shalt  }
0x53: {  	_ =	shalt  }
0x54: {  	_ =	shalt  }
0x55: {  	_ =	shalt  }
0x56: {  	_ =	shalt  }
0x57: {  	_ =	shalt  }
0x58: {  	_ =	shalt  }
0x59: {  	_ =	shalt  }
0x5a: {  	_ =	shalt  }
0x5b: {  	_ =	shalt  }
0x5c: {  	_ =	shalt  }
0x5d: {  	_ =	shalt  }
0x5e: {  	_ =	shalt  }
0x5f: {  	_ =	shalt  }
0x60: {  	_ =	shalt  }
0x61: {  	_ =	shalt  }
0x62: {  	_ =	shalt  }
0x63: {  	_ =	shalt  }
0x64: {  	_ =	shalt  }
0x65: {  	_ =	shalt  }
0x66: {  	_ =	shalt  }
0x67: {  	_ =	shalt  }
0x68: {  	_ =	shalt  }
0x69: {  	_ =	shalt  }
0x6a: {  	_ =	shalt  }
0x6b: {  	_ =	shalt  }
0x6c: {  	_ =	shalt  }
0x6d: {  	_ =	shalt  }
0x6e: {  	_ =	shalt  }
0x6f: {  	_ =	shalt  }
0x70: {  	_ =	shalt  }
0x71: {  	_ =	shalt  }
0x72: {  	_ =	shalt  }
0x73: {  	_ =	shalt  }
0x74: {  	_ =	shalt  }
0x75: {  	_ =	shalt  }
0x76: {  	_ =	shalt  }
0x77: {  	_ =	shalt  }
0x78: {  	_ =	shalt  }
0x79: {  	_ =	shalt  }
0x7a: {  	_ =	shalt  }
0x7b: {  	_ =	shalt  }
0x7c: {  	_ =	shalt  }
0x7d: {  	_ =	shalt  }
0x7e: {  	_ =	shalt  }
0x7f: {  	_ =	shalt  }
0x80: {  	_ =	shalt  }
0x81: {  	_ =	shalt  }
0x82: {  	_ =	shalt  }
0x83: {  	_ =	shalt  }
0x84: {  	_ =	shalt  }
0x85: {  	_ =	shalt  }
0x86: {  	_ =	shalt  }
0x87: {  	_ =	shalt  }
.Lfunc_end0:
.L_simem_size_0:
called_computation_lowered:
.L_overlay_start_0:
0x88: {  	s2 =	sld [smem:$0x3FD9]  }
0x89: {  	s3 =	sld [smem:$0x3FFE];
	_ =	sdelay $0x1  }
0x8a: {  	s1 =	srdreg.scid  }
0x8b: {  	s0 =	sand.u32 $0x1, s1  }
0x8c: {  	s17 =	sshll.u32 s0, $0xA;
	s2 =	sadd.s32 s3, s2  }
0x8d: {  	s2 =	sadd.s32 s2, s17  }
0x8e: {  	[smem:$0x3FC6] =	sst s2  }
0x8f: {  	_ = 	snop  }
0x90: {  	s2 =	sld [smem:$0x3FC9];
	(tm) =	ssettm $0x1  }
0x91: {  	s18 =	sld [smem:$0x3FFB];
	_ =	sdelay $0x3  }
0x92: {  	_ =	strace s18  }
0x93: {  	s3 =	sld [smem:$0x3FFC];
	_ =	sdelay $0x3  }
0x94: {  	_ =	strace s3  }
0x95: {  	s3 =	sld [smem:$0x3FFD];
	_ =	sdelay $0x3  }
0x96: {  	_ =	strace s3  }
0x97: {  	_ =	strace $0x8FFFFFFF  }
0x98: {  	s19 =	sld [smem:$0x3FDB];
	_ =	sdelay $0x1  }
0x99: {  	s4 =	simm.s32 $_scs_section_size  }
0x9a: {  	s5 =	simm.s32 $_size__tile_overlayer_lowered;
	s6 =	simm.s32 $_tile_overlayer_lowered  }
0x9b: {  	s22 =	simm.s32 $0x1BFF;
	s21 =	sshll.u32 s6, $0x1;
	s3 =	sadd.s32 s4, s19  }
0x9c: {  	s7 =	simm.s32 $0x0;
	s20 =	sshll.u32 s5, $0x1;
	s5 =	sadd.s32 s21, s3  }
0x9d: {  	[timem:s7], [sflag:s22] =	dma.local [hbm:s5], s20  }
0x9e: {  	_ =	swait.ge [sflag:s22], s20  }
0x9f: {  	s4 =	ssub.s32 $0x0, s20;
	[sflag:s22] =	ssyncset.done $0x0  }
0xa0: {  	[sflag:s22] =	ssyncadd.s32 s4;
	_ =	sdelay $0x1  }
0xa1: {  	s23 =	simm.s32 $0x1B8B  }
0xa2: {  	_ =	swait.ge [sflag:s23], $0x1  }
0xa3: {  	[sflag:s23] =	ssyncset.done $0x0  }
0xa4: {  	s25 =	simm.s32 $0x1B8E;
	s24 =	sld [smem:$0x3FFE];
	[sflag:s23] =	ssyncadd.s32 $0xFFFFFFFF  }
0xa5: {  	s26 =	simm.s32 $execute0_lowered;
	[smem:$0x3FD2] =	sst s25  }
0xa6: {  	s5 =	sshll.u32 s26, $0x1;
	_ =	strace $0x80000046;
	[dreg:$0x1] =	wrdreg $0xFFFFFFFF  }
0xa7: {  	s28 =	simm.s32 $_size_execute0_lowered;
	s3 =	sadd.s32 s3, s5;
	[dreg:$0x0] =	wrdreg $0x0  }
0xa8: {  	s5 =	sshll.u32 s28, $0x1;
	[dreg:$0x2] =	wrdreg s3  }
0xa9: {  	[dreg:$0x3] =	wrdreg s5  }
0xaa: {  	[dreg:$0x4] =	wrdreg $0xC0  }
0xab: {  	_ =	task [dreg:s7], $0x5FFFF  }
0xac: {  	[dreg:$0x1] =	wrdreg $0xFFFFFFFF  }
0xad: {  	[dreg:$0x0] =	wrdreg $0x60  }
0xae: {  	[dreg:$0x2] =	wrdreg s2  }
0xaf: {  	[dreg:$0x3] =	wrdreg s24  }
0xb0: {  	[dreg:$0x4] =	wrdreg $0x1A7800  }
0xb1: {  	[dreg:$0x5] =	wrdreg $0x9  }
0xb2: {  	_ =	task.clear_ibuf [dreg:s7], $0x6FFFF;
	_ =	strace $0x90000046  }
0xb3: {  	s29 =	simm.s32 $0x9;
	_ =	strace $0x80000048  }
0xb4: {  	_ =	swait.ge [sflag:s29], $0x1  }
0xb5: {  	[sflag:s29] =	ssyncadd.s32 $0xFFFFFFFF  }
0xb6: {  	_ =	strace $0x90000048  }
0xb7: {  	_ =	sfence  }
0xb8: {  	s30 =	sld [smem:$0x0];
	_ =	sdelay $0x2  }
0xb9: {  	s31 =	sshll.u32 s1, $0xD;
	s1 =	sshrl.u32 s1, $0x2  }
0xba: {  	s3 =	sand.u32 $0x4000, s31;
	s1 =	sadd.s32 s1, s30  }
0xbb: {  	s0 =	sor.u32 s3, s0;
	s1 =	sshll.u32 s1, $0x11  }
0xbc: {  	s0 =	sor.u32 s1, s0  }
0xbd: {  	s0 =	sadd.s32 $0x8F2B, s0  }
0xbe: {  	[sflag:s0] =	ssyncadd.remote.s32 $0x1  }
0xbf: {  	_ =	sfence.sel $0xFFFF  }
0xc0: {  	[dreg:$0x0] =	wrdreg $0xFFFFFFFF;
	(pc) =	sbr.abs _section_cstart, $3  }
0xc1: {  	[dreg:$0x1] =	wrdreg $0xFFFFFFFF  }
0xc2: {  	_ =	task.clear_ibuf [dreg:s7], $0x2FFFF;
	_ =	strace $0x9FFFFFFF  }
0xc3: {  	(tm) =	ssettm $0x7FFFFFFF  }
tec
execute0_lowered:
.L_overlay_start_1:
0x0: {  	(tag) =	ssettag $0x1  }
0x1: {  	s4 =	rddreg [dreg:$0x0]  }
0x2: {  	s5 =	rddreg [dreg:$0x1]  }
0x3: {  	s1 =	rddreg [dreg:$0x2]  }
0x4: {  	s0 =	rddreg [dreg:$0x3];
	s3 =	simm.s32 $0x0  }
0x5: {  	s6 =	srdreg.scid;
	s2 =	stileid.u32;
	s13 =	simm.s32 $0x0  }
0x6: {  	[smem:$0x7FF] =	sst s3;
	s6 =	sand.u32 $0x1, s6;
	s7 =	sshll.u32 s2, $0x1  }
0x7: {  	s8 =	sshrl.u32 s2, $0x2;
	p0 =	sgt.u32 s2, $0xC;
	p1 =	seq.s32 s2, $0x0  }
0x8: {  	_ =	strace $0x80000047;
	s7 =	sor.u32 s6, s7;
	s8 =	smul.u32 $0xC3800, s8  }
0x9: {  	s10 =	ssub.s32 $0x2, s6;
	s6 =	sshll.u32 s6, $0x9;
	s12 =	sshrl.u32 @p1 s1, $0x3  }
0xa: {  	s9 =	sshll.u32 s7, $0x9;
	s7 =	sshll.u32 s7, $0x7;
	s11 =	sshrl.u32 s10, $0x1  }
.Ltmp0:
0xb: {  	s6 =	sadd.s32 s6, s5;
	s9 =	sadd.s32 s9, s5;
	(pc) =	sbr.rel .LBB2_1-.Ltmp0, $4  }
0xc: {  	s7 =	sand.u32 $0x380, s7;
	s30 =	ssub.s32 s10, s11;
	s6 =	sadd.s32 $0x4800, s6  }
0xd: {  	s10 =	simm.s32 $0x1;
	s11 =	simm.s32 $0x18700;
	s7 =	sor.u32 s8, s7  }
0xe: {  	v0 =	vlaneseq.u32;
	s5 =	sadd.s32 $0x1400, s9;
	s8 =	simm.s32 $0x80;
	s31 =	sshrl.u32 s7, $0x3  }
0xf: {  	v1 =	vor.u32 $0x10, v0;
	s9 =	simm.s32 $0x400;
	s7 =	smax.u32 s30, $0x1;
	s4 =	sadd.s32 s4, s31  }
.LBB2_5:
0x10: {  	[tilespmem:$0x1A700] =	vst v0  }
0x11: {  	[tilespmem:$0x1A710] =	vst v1  }
0x12: {  	[bflag:$0x0] =	sbarrier.arrive $0xFFFF  }
0x13: {  	[bflag:$0x0] =	sbarrier.arrive $0xFFFF  }
0x14: {  	[bflag:$0x0] =	sbarrier.arrive $0xFFFF  }
.LBB2_6:
0x15: {  	s13 =	sadd.s32 $0x1, s13  }
0x16: {  	p2 =	sne.s32 s13, s7  }
.Ltmp1:
0x17: {  	_ = 	snop;
	(pc) =	sbr.rel @!p2 .LBB2_7-.Ltmp1, $1  }
0x18: {  	_ =	sdelay $0x3  }
.LBB2_1:
.Ltmp2:
0x19: {  	(pc) =	sbr.rel @p0 .LBB2_5-.Ltmp2, $1  }
0x1a: {  	_ =	sdelay $0x3  }
0x1b: {  	s14 =	simm.s32 $0x0  }
0x1c: {  	[tilespmem:s14], [sflag:$0x1] =	stream.strided.gather [hbm4b:s4+s8], $0x18700, s9, s8, $0x38;
	[tilespmem:$0x1A880] =	vst v63  }
0x1d: {  	_ =	swait.ge [sflag:s10], $0x18700  }
0x1e: {  	[sflag:s10] =	ssyncset.done $0x0  }
0x1f: {  	[sflag:s10] =	ssyncadd.s32 $0xFFFE7900  }
0x20: {  	[tilespmem:s11], [sflag:$0x1] =	stream.linear.gather [hbm4b:s5+s14], $0x1000, $0x38;
	[tilespmem:$0x1A880] =	vst v63  }
0x21: {  	_ =	swait.ge [sflag:s10], $0x1000  }
0x22: {  	[sflag:s10] =	ssyncset.done $0x0  }
0x23: {  	s14 =	simm.s32 $0x0;
	[sflag:s10] =	ssyncadd.s32 $0xFFFFF000  }
0x24: {  	v2 =	vld [tilespmem:s14+$0x18700];
	_ =	sdelay $0x5  }
0x25: {  	v3 =	vld [tilespmem:s14+$0x18710];
	_ =	sdelay $0x1  }
0x26: {  	v2 =	vld.idx.msk [tilespmem:v2+s3+$0x0], $0xffff;
	_ =	sdelay $0x4  }
0x27: {  	[tilespmem:s14+$0x19700] =	vst v2;
	v2 =	vld [tilespmem:s14+$0x18720]  }
0x28: {  	v3 =	vld.idx.msk [tilespmem:v3+s3+$0x0], $0xffff;
	_ =	sdelay $0x4  }
0x29: {  	[tilespmem:s14+$0x19710] =	vst v3;
	v3 =	vld [tilespmem:s14+$0x18730];
	_ =	sdelay $0x1  }
0x2a: {  	v2 =	vld.idx.msk [tilespmem:v2+s3+$0x0], $0xffff;
	_ =	sdelay $0x4  }
0x2b: {  	[tilespmem:s14+$0x19720] =	vst v2;
	v2 =	vld [tilespmem:s14+$0x18740]  }
0x2c: {  	v3 =	vld.idx.msk [tilespmem:v3+s3+$0x0], $0xffff;
	_ =	sdelay $0x4  }
0x2d: {  	[tilespmem:s14+$0x19730] =	vst v3;
	v3 =	vld [tilespmem:s14+$0x18750];
	_ =	sdelay $0x1  }
0x2e: {  	v2 =	vld.idx.msk [tilespmem:v2+s3+$0x0], $0xffff;
	_ =	sdelay $0x4  }
0x2f: {  	v4 =	vld [tilespmem:s14+$0x18760];
	[tilespmem:s14+$0x19740] =	vst v2  }
0x30: {  	v2 =	vld.idx.msk [tilespmem:v3+s3+$0x0], $0xffff;
	_ =	sdelay $0x4  }
0x31: {  	[tilespmem:s14+$0x19750] =	vst v2;
	v2 =	vld [tilespmem:s14+$0x18770];
	_ =	sdelay $0x1  }
0x32: {  	v3 =	vld.idx.msk [tilespmem:v4+s3+$0x0], $0xffff;
	_ =	sdelay $0x3  }
0x33: {  	s16 =	simm.s32 $0x80;
	s15 =	simm.s32 $0x400  }
.LBB2_3:
0x34: {  	p2 =	sne.s32 s15, $0x3E00;
	v4 =	vld [tilespmem:s16+$0x18700];
	[tilespmem:s14+$0x19760] =	vst v3  }
0x35: {  	v2 =	vld.idx.msk [tilespmem:v2+s3+$0x0], $0xffff;
	_ =	sdelay $0x5  }
0x36: {  	v3 =	vld [tilespmem:s16+$0x18710];
	[tilespmem:s14+$0x19770] =	vst v2;
	s14 =	smov.u32 s16  }
0x37: {  	v2 =	vld.idx.msk [tilespmem:v4+s3+$0x0], $0xffff;
	_ =	sdelay $0x5  }
0x38: {  	[tilespmem:s14+$0x19700] =	vst v2;
	v2 =	vld [tilespmem:s14+$0x18720]  }
0x39: {  	v3 =	vld.idx.msk [tilespmem:v3+s3+$0x0], $0xffff;
	_ =	sdelay $0x5  }
0x3a: {  	[tilespmem:s14+$0x19710] =	vst v3;
	v3 =	vld [tilespmem:s14+$0x18730]  }
0x3b: {  	v2 =	vld.idx.msk [tilespmem:v2+s3+$0x0], $0xffff;
	_ =	sdelay $0x5  }
0x3c: {  	[tilespmem:s14+$0x19720] =	vst v2;
	v2 =	vld [tilespmem:s14+$0x18740]  }
0x3d: {  	v3 =	vld.idx.msk [tilespmem:v3+s3+$0x0], $0xffff;
	_ =	sdelay $0x5  }
0x3e: {  	[tilespmem:s14+$0x19730] =	vst v3;
	v3 =	vld [tilespmem:s14+$0x18750]  }
0x3f: {  	v2 =	vld.idx.msk [tilespmem:v2+s3+$0x0], $0xffff;
	_ =	sdelay $0x5  }
0x40: {  	[tilespmem:s14+$0x19740] =	vst v2;
	v4 =	vld [tilespmem:s14+$0x18760]  }
0x41: {  	v2 =	vld.idx.msk [tilespmem:v3+s3+$0x0], $0xffff;
	_ =	sdelay $0x5  }
0x42: {  	[tilespmem:s14+$0x19750] =	vst v2;
	v2 =	vld [tilespmem:s14+$0x18770]  }
0x43: {  	v3 =	vld.idx.msk [tilespmem:v4+s3+$0x0], $0xffff  }
.Ltmp3:
0x44: {  	(pc) =	sbr.rel @p2 .LBB2_3-.Ltmp3, $2  }
0x45: {  	_ =	sdelay $0x2  }
0x46: {  	s16 =	sshra.s32 s15, $0x2;
	s15 =	sadd.s32 $0x200, s15  }
0x47: {  	_ =	sdelay $0x1  }
0x48: {  	v4 =	vld [tilespmem:s16+$0x18700]  }
0x49: {  	[tilespmem:s14+$0x19760] =	vst v3  }
0x4a: {  	v2 =	vld.idx.msk [tilespmem:v2+s3+$0x0], $0xffff;
	_ =	sdelay $0x3  }
0x4b: {  	v3 =	vld [tilespmem:s16+$0x18710]  }
0x4c: {  	[tilespmem:s14+$0x19770] =	vst v2  }
0x4d: {  	v2 =	vld.idx.msk [tilespmem:v4+s3+$0x0], $0xffff;
	_ =	sdelay $0x4  }
0x4e: {  	[tilespmem:s16+$0x19700] =	vst v2;
	v2 =	vld [tilespmem:s16+$0x18720]  }
0x4f: {  	v3 =	vld.idx.msk [tilespmem:v3+s3+$0x0], $0xffff;
	_ =	sdelay $0x4  }
0x50: {  	[tilespmem:s16+$0x19710] =	vst v3;
	v3 =	vld [tilespmem:s16+$0x18730];
	_ =	sdelay $0x1  }
0x51: {  	v2 =	vld.idx.msk [tilespmem:v2+s3+$0x0], $0xffff;
	_ =	sdelay $0x4  }
0x52: {  	[tilespmem:s16+$0x19720] =	vst v2;
	v2 =	vld [tilespmem:s16+$0x18740]  }
0x53: {  	v3 =	vld.idx.msk [tilespmem:v3+s3+$0x0], $0xffff;
	_ =	sdelay $0x4  }
0x54: {  	[tilespmem:s16+$0x19730] =	vst v3;
	v3 =	vld [tilespmem:s16+$0x18750];
	_ =	sdelay $0x1  }
0x55: {  	v2 =	vld.idx.msk [tilespmem:v2+s3+$0x0], $0xffff;
	_ =	sdelay $0x4  }
0x56: {  	[tilespmem:s16+$0x19740] =	vst v2;
	v2 =	vld [tilespmem:s16+$0x18760]  }
0x57: {  	v3 =	vld.idx.msk [tilespmem:v3+s3+$0x0], $0xffff;
	_ =	sdelay $0x4  }
0x58: {  	[tilespmem:s16+$0x19750] =	vst v3;
	v3 =	vld [tilespmem:s16+$0x18770];
	_ =	sdelay $0x1  }
0x59: {  	v2 =	vld.idx.msk [tilespmem:v2+s3+$0x0], $0xffff;
	_ =	sdelay $0x4  }
0x5a: {  	[tilespmem:s16+$0x19760] =	vst v2  }
0x5b: {  	v2 =	vld.idx.msk [tilespmem:v3+s3+$0x0], $0xffff;
	_ =	sdelay $0x4  }
0x5c: {  	[tilespmem:s16+$0x19770] =	vst v2  }
0x5d: {  	[tilespmem:$0x1A700] =	vst v0  }
0x5e: {  	[tilespmem:$0x1A710] =	vst v1  }
0x5f: {  	s14 =	simm.s32 @p1 $0x19700;
	[bflag:$0x0] =	sbarrier.arrive $0xFFFF  }
0x60: {  	[spmem:s1] =	stream.linear.scatter @p1 [tilespmem:s14], [sflag:$0x1], $0x1000, $0x38;
	[tilespmem:$0x1A880] =	vst v63  }
0x61: {  	s14 =	simm.s32 @p1 $0x1  }
0x62: {  	_ =	swait.ge @p1 [sflag:s14], $0x1000  }
0x63: {  	[sflag:s14] =	ssyncset.done @p1 $0x0  }
0x64: {  	[sflag:s14] =	ssyncadd.s32 @p1 $0xFFFFF000  }
0x65: {  	[bflag:$0x0] =	sbarrier.arrive @p1 $0xFFFF  }
0x66: {  	s15 =	simm.s32 @p1 $0x1C01;
	[bflag:$0x0] =	sbarrier.arrive @p1 $0xFFFF  }
0x67: {  	[hbm:s6], [sflag:s15] =	dma.local @p1 [spmem:s12], $0x200  }
0x68: {  	_ =	swait.ge @p1 [sflag:s14], $0x200  }
0x69: {  	[sflag:s14] =	ssyncset.done @p1 $0x0  }
0x6a: {  	s16 =	simm.s32 @!p1 $0x19700;
	[sflag:s14] =	ssyncadd.s32 @p1 $0xFFFFFE00  }
0x6b: {  	s15 =	simm.s32 @!p1 $0x1A700;
	s14 =	simm.s32 @!p1 $0x20;
	[bflag:$0x0] =	sbarrier.arrive @!p1 $0xFFFF  }
0x6c: {  	[spmem:s1] =	stream.indirect.scatter.add.f32 @!p1 [tilespmem:s16], [sflag:$0x1], $0x80, s15, s14, $0xb8;
	[tilespmem:$0x1A880] =	vst v63  }
0x6d: {  	s14 =	simm.s32 @!p1 $0x1  }
.Ltmp4:
0x6e: {  	_ =	swait.ge @!p1 [sflag:s14], $0x1000;
	(pc) =	sbr.rel .LBB2_6-.Ltmp4, $3  }
0x6f: {  	[sflag:s14] =	ssyncset.done @!p1 $0x0  }
0x70: {  	[sflag:s14] =	ssyncadd.s32 @!p1 $0xFFFFF000  }
0x71: {  	[bflag:$0x0] =	sbarrier.arrive @!p1 $0xFFFF;
	_ =	sdelay $0x1  }
.LBB2_7:
0x72: {  	_ =	sfence.sel $0x180000  }
0x73: {  	[bflag:$0x0] =	sbarrier.arrive $0xFFFF  }
0x74: {  	p0 =	sne.s32 s2, $0x0;
	_ =	strace $0x90000047  }
0x75: {  	s0 =	sadd.s32 @!p0 $0x100000, s0;
	[bflag:$0x2] =	sbarrier.arrive $0xFFFF  }
0x76: {  	[sflag:s0] =	ssyncadd.tile.s32 @!p0 $0x1;
	_ =	shalt  }
.Lfunc_end2:
_tile_overlayer_lowered:
.L_overlay_start_2:
0x77: {  	(tag) =	ssettag $0x2  }
0x78: {  	s0 =	rddreg [dreg:$0x0];
	s2 =	stileid.u32  }
0x79: {  	s1 =	rddreg [dreg:$0x1];
	p0 =	sne.s32 s2, $0x0  }
0x7a: {  	s3 =	rddreg [dreg:$0x2];
	[bflag:$0x3] =	sbarrier.arrive $0xFFFF;
	s2 =	simm.s32 @!p0 $0x1C01  }
0x7b: {  	[timem:s3], [sflag:s2] =	dma.local @!p0 [hbm:s0], s1  }
0x7c: {  	s0 =	simm.s32 @!p0 $0x1  }
0x7d: {  	_ =	swait.ge @!p0 [sflag:s0], s1  }
0x7e: {  	s1 =	ssub.s32 @!p0 $0x0, s1;
	[sflag:s0] =	ssyncset.done @!p0 $0x0  }
0x7f: {  	[sflag:s0] =	ssyncadd.s32 @!p0 s1  }
0x80: {  	[bflag:$0x3] =	sbarrier.arrive $0xFFFF  }
0x81: {  	_ =	shalt  }

</sc_bundles>
